<compile_context>
chip_gen: v7x
topology: tpu7x:2x2x1
jax: 0.10.2.dev20260603
libtpu: 0.0.44.dev20260713+nightly
codegen_flags: <defaults>
</compile_context>

<pallas_src>
import functools

import jax
import jax.numpy as jnp
from jax import lax
from jax.experimental import pallas as pl
from jax.experimental.pallas import tpu as pltpu
from jax.experimental.pallas import tpu_sc as plsc

VOCAB = 128000
D_MODEL = 4096
NTOK = 16384

_info = plsc.get_sparse_core_info()
NC, NS = _info.num_cores, _info.num_subcores
NW = NC * NS
TPW = NTOK // NW
K = 8
NCHUNKS = TPW // K
NBUF = 3
NTRIPLES = (NCHUNKS - 1) // NBUF


@functools.partial(
    pl.kernel,
    mesh=plsc.VectorSubcoreMesh(core_axis_name="c", subcore_axis_name="s"),
    out_type=jax.ShapeDtypeStruct((NTOK, D_MODEL), jnp.float32),
    scratch_types=[
        pltpu.VMEM((TPW,), jnp.int32),
        pltpu.VMEM((K, D_MODEL), jnp.float32),
        pltpu.VMEM((K, D_MODEL), jnp.float32),
        pltpu.VMEM((K, D_MODEL), jnp.float32),
        pltpu.SemaphoreType.DMA,
        pltpu.SemaphoreType.DMA,
        pltpu.SemaphoreType.DMA,
    ],
)
def _emb_lookup(ids_hbm, table_hbm, out_hbm, idx_v, buf0, buf1, buf2, sem0, sem1, sem2):
    wid = lax.axis_index("s") * NC + lax.axis_index("c")
    base = wid * TPW
    pltpu.sync_copy(ids_hbm.at[pl.ds(base, TPW)], idx_v)
    bufs = (buf0, buf1, buf2)
    sems = (sem0, sem1, sem2)

    def gather(c, j):
        pltpu.async_copy(table_hbm.at[idx_v.at[pl.ds(c * K, K)]], bufs[j], sems[j])

    def wait(j):
        pltpu.make_async_copy(table_hbm.at[pl.ds(0, K)], bufs[j], sems[j]).wait()

    def write_out(c, j):
        pltpu.sync_copy(bufs[j], out_hbm.at[pl.ds(base + c * K, K)])

    for j in range(NBUF):
        gather(j, j)

    def ring_body(g, carry):
        for j in range(NBUF):
            c = NBUF * g + j
            wait(j)
            write_out(c, j)

            @pl.when(c + NBUF < NCHUNKS)
            def _():
                gather(c + NBUF, j)

        return carry

    lax.fori_loop(0, NTRIPLES, ring_body, 0)
    wait(0)
    write_out(NCHUNKS - 1, 0)


def kernel(input_ids, embed_weight):
    ids_flat = input_ids.reshape(NTOK).astype(jnp.int32)
    out = _emb_lookup(ids_flat, embed_weight)
    return out.reshape(input_ids.shape[0], input_ids.shape[1], D_MODEL)

# --- scband reference (transcript-rebuilt; emitter-appended) ---
"""Pipeline reference for scband-tied-embedding-13537736917618 (READ-ONLY COPY).

The authoritative reference and input builder live on the scoring server;
editing this copy changes nothing except your own understanding.
"""

import jax, jax.numpy as jnp
import numpy as np

VOCAB = 128000
D_MODEL = 4096
BATCH = 4
SEQ = 4096

def setup_inputs(seed: int = 0) -> dict:
    key = jax.random.key(seed)
    k_ids, k_w = jax.random.split(key)
    input_ids = jax.random.randint(k_ids, (BATCH, SEQ), 0, VOCAB, dtype=jnp.int64 if jax.config.jax_enable_x64 else jnp.int32)
    # nn.Embedding default init: N(0, 1)
    embed_weight = jax.random.normal(k_w, (VOCAB, D_MODEL), dtype=jnp.float32)
    return {"input_ids": input_ids, "embed_weight": embed_weight}

def reference(input_ids, embed_weight):
    # TiedEmbedding.forward: return self.embed(input_ids)
    return jnp.take(embed_weight, input_ids, axis=0)

if __name__ == "__main__":
    import jax
    _d = setup_inputs()
    print(jax.jit(kernel)(*tuple(_d.values())))

</pallas_src>

<mosaic_0001>
#map = affine_map<(d0, d1) -> (0)>
#map1 = affine_map<(d0, d1) -> (0, 0)>
module attributes {stable_mosaic.version = 14 : i64} {
  func.func @_emb_lookup(%arg0: i32, %arg1: i32, %arg2: memref<16384xi32, #tpu.memory_space<hbm>>, %arg3: memref<128000x4096xf32, #tpu.memory_space<hbm>>, %arg4: memref<16384x4096xf32, #tpu.memory_space<hbm>>, %arg5: memref<512xi32, #tpu.memory_space<vmem>>, %arg6: memref<8x4096xf32, #tpu.memory_space<vmem>>, %arg7: memref<8x4096xf32, #tpu.memory_space<vmem>>, %arg8: memref<8x4096xf32, #tpu.memory_space<vmem>>, %arg9: memref<!tpu.dma_semaphore, #tpu.memory_space<semaphore_mem>>, %arg10: memref<!tpu.dma_semaphore, #tpu.memory_space<semaphore_mem>>, %arg11: memref<!tpu.dma_semaphore, #tpu.memory_space<semaphore_mem>>) attributes {dimension_semantics = [#tpu.dimension_semantics<core_parallel>, #tpu.dimension_semantics<subcore_parallel>], iteration_bounds = array<i64: 2, 16>, scalar_prefetch = 0 : i64, scratch_operands = 7 : i64, tpu.core_type = #tpu.core_type<sc_vector_subcore>, window_params = [{transform_indices = #map}, {transform_indices = #map1}, {transform_indices = #map1}]} {
    %mul3A = arith.constant 2 : i32
    %mul3A_0 = arith.muli %arg1, %mul3A : i32
    %add3A = arith.addi %mul3A_0, %arg0 : i32
    %mul3A_1 = arith.constant 512 : i32
    %mul3A_2 = arith.muli %add3A, %mul3A_1 : i32
    "tpu.region"() ({
      %run_scoped3A = tpu.sem_alloc : memref<!tpu.dma_semaphore, #tpu.memory_space<semaphore_mem>>
      %dma_start3A_29 = tpu.memref_slice %arg2[%mul3A_2] : memref<16384xi32, #tpu.memory_space<hbm>> -> memref<512xi32, #tpu.memory_space<hbm>>
      %dma_start3A_30 = tpu.memref_slice %arg2[%mul3A_2] : memref<16384xi32, #tpu.memory_space<hbm>> -> memref<512xi32, #tpu.memory_space<hbm>>
      tpu.enqueue_dma source(%dma_start3A_30 : memref<512xi32, #tpu.memory_space<hbm>>) target(%arg5 : memref<512xi32, #tpu.memory_space<vmem>>) target_semaphore(%run_scoped3A : memref<!tpu.dma_semaphore, #tpu.memory_space<semaphore_mem>>)
      %dma_wait3A_31 = tpu.memref_slice %arg2[%mul3A_2] : memref<16384xi32, #tpu.memory_space<hbm>> -> memref<512xi32, #tpu.memory_space<hbm>>
      %dma_wait3A_32 = tpu.memref_slice %arg2[%mul3A_2] : memref<16384xi32, #tpu.memory_space<hbm>> -> memref<512xi32, #tpu.memory_space<hbm>>
      tpu.wait_dma2 semaphore(%run_scoped3A : memref<!tpu.dma_semaphore, #tpu.memory_space<semaphore_mem>>) src(%dma_wait3A_32 : memref<512xi32, #tpu.memory_space<hbm>>) dst(%arg5 : memref<512xi32, #tpu.memory_space<vmem>>)
      tpu.yield
    }) : () -> ()
    %dma_start3A = arith.constant 0 : i32
    %dma_start3A_3 = tpu.memref_slice %arg5[%dma_start3A] : memref<512xi32, #tpu.memory_space<vmem>> -> memref<8xi32, #tpu.memory_space<vmem>>
    %dma_start3A_4 = arith.constant 0 : i32
    %dma_start3A_5 = arith.constant 0 : i32
    %dma_start3A_6 = tpu.memref_slice %arg3[%dma_start3A_4, %dma_start3A_5] : memref<128000x4096xf32, #tpu.memory_space<hbm>> -> memref<128000x4096xf32, #tpu.memory_space<hbm>>
    tpu.enqueue_indirect_dma source(%dma_start3A_6 : memref<128000x4096xf32, #tpu.memory_space<hbm>>) target(%arg6 : memref<8x4096xf32, #tpu.memory_space<vmem>>) offsets(%dma_start3A_3 : memref<8xi32, #tpu.memory_space<vmem>>) semaphore(%arg9 : memref<!tpu.dma_semaphore, #tpu.memory_space<semaphore_mem>>)
    %dma_start3A_7 = arith.constant 8 : i32
    %dma_start3A_8 = tpu.memref_slice %arg5[%dma_start3A_7] : memref<512xi32, #tpu.memory_space<vmem>> -> memref<8xi32, #tpu.memory_space<vmem>>
    %dma_start3A_9 = arith.constant 0 : i32
    %dma_start3A_10 = arith.constant 0 : i32
    %dma_start3A_11 = tpu.memref_slice %arg3[%dma_start3A_9, %dma_start3A_10] : memref<128000x4096xf32, #tpu.memory_space<hbm>> -> memref<128000x4096xf32, #tpu.memory_space<hbm>>
    tpu.enqueue_indirect_dma source(%dma_start3A_11 : memref<128000x4096xf32, #tpu.memory_space<hbm>>) target(%arg7 : memref<8x4096xf32, #tpu.memory_space<vmem>>) offsets(%dma_start3A_8 : memref<8xi32, #tpu.memory_space<vmem>>) semaphore(%arg10 : memref<!tpu.dma_semaphore, #tpu.memory_space<semaphore_mem>>)
    %dma_start3A_12 = arith.constant 16 : i32
    %dma_start3A_13 = tpu.memref_slice %arg5[%dma_start3A_12] : memref<512xi32, #tpu.memory_space<vmem>> -> memref<8xi32, #tpu.memory_space<vmem>>
    %dma_start3A_14 = arith.constant 0 : i32
    %dma_start3A_15 = arith.constant 0 : i32
    %dma_start3A_16 = tpu.memref_slice %arg3[%dma_start3A_14, %dma_start3A_15] : memref<128000x4096xf32, #tpu.memory_space<hbm>> -> memref<128000x4096xf32, #tpu.memory_space<hbm>>
    tpu.enqueue_indirect_dma source(%dma_start3A_16 : memref<128000x4096xf32, #tpu.memory_space<hbm>>) target(%arg8 : memref<8x4096xf32, #tpu.memory_space<vmem>>) offsets(%dma_start3A_13 : memref<8xi32, #tpu.memory_space<vmem>>) semaphore(%arg11 : memref<!tpu.dma_semaphore, #tpu.memory_space<semaphore_mem>>)
    %scan3A = arith.constant 0 : i32
    %scan3A_17 = arith.constant 0 : i32
    %scan3A_18 = arith.constant 21 : i32
    %scan3A_19 = arith.addi %scan3A_17, %scan3A_18 : i32
    %scan3A_20 = arith.constant 1 : i32
    scf.for %scan3A_29 = %scan3A_17 to %scan3A_19 step %scan3A_20  : i32 {
      %mul3A_30 = arith.constant 3 : i32
      %mul3A_31 = arith.muli %mul3A_30, %scan3A_29 : i32
      %add3A_32 = arith.constant 0 : i32
      %add3A_33 = arith.addi %mul3A_31, %add3A_32 : i32
      %dma_wait3A_34 = arith.constant 0 : i32
      %dma_wait3A_35 = arith.constant 0 : i32
      %dma_wait3A_36 = tpu.memref_slice %arg3[%dma_wait3A_34, %dma_wait3A_35] : memref<128000x4096xf32, #tpu.memory_space<hbm>> -> memref<8x4096xf32, #tpu.memory_space<hbm>>
      %dma_wait3A_37 = arith.constant 0 : i32
      %dma_wait3A_38 = arith.constant 0 : i32
      %dma_wait3A_39 = tpu.memref_slice %arg3[%dma_wait3A_37, %dma_wait3A_38] : memref<128000x4096xf32, #tpu.memory_space<hbm>> -> memref<8x4096xf32, #tpu.memory_space<hbm>>
      tpu.wait_dma2 semaphore(%arg9 : memref<!tpu.dma_semaphore, #tpu.memory_space<semaphore_mem>>) src(%dma_wait3A_39 : memref<8x4096xf32, #tpu.memory_space<hbm>>) dst(%arg6 : memref<8x4096xf32, #tpu.memory_space<vmem>>)
      %mul3A_40 = arith.constant 8 : i32
      %mul3A_41 = arith.muli %add3A_33, %mul3A_40 : i32
      %add3A_42 = arith.addi %mul3A_2, %mul3A_41 : i32
      "tpu.region"() ({
        %run_scoped3A = tpu.sem_alloc : memref<!tpu.dma_semaphore, #tpu.memory_space<semaphore_mem>>
        %dma_start3A_87 = arith.constant 0 : i32
        %dma_start3A_88 = tpu.memref_slice %arg4[%add3A_42, %dma_start3A_87] : memref<16384x4096xf32, #tpu.memory_space<hbm>> -> memref<8x4096xf32, #tpu.memory_space<hbm>>
        %dma_start3A_89 = arith.constant 0 : i32
        %dma_start3A_90 = tpu.memref_slice %arg4[%add3A_42, %dma_start3A_89] : memref<16384x4096xf32, #tpu.memory_space<hbm>> -> memref<8x4096xf32, #tpu.memory_space<hbm>>
        tpu.enqueue_dma source(%arg6 : memref<8x4096xf32, #tpu.memory_space<vmem>>) target(%dma_start3A_90 : memref<8x4096xf32, #tpu.memory_space<hbm>>) target_semaphore(%run_scoped3A : memref<!tpu.dma_semaphore, #tpu.memory_space<semaphore_mem>>)
        %dma_wait3A_91 = arith.constant 0 : i32
        %dma_wait3A_92 = tpu.memref_slice %arg4[%add3A_42, %dma_wait3A_91] : memref<16384x4096xf32, #tpu.memory_space<hbm>> -> memref<8x4096xf32, #tpu.memory_space<hbm>>
        %dma_wait3A_93 = arith.constant 0 : i32
        %dma_wait3A_94 = tpu.memref_slice %arg4[%add3A_42, %dma_wait3A_93] : memref<16384x4096xf32, #tpu.memory_space<hbm>> -> memref<8x4096xf32, #tpu.memory_space<hbm>>
        tpu.wait_dma2 semaphore(%run_scoped3A : memref<!tpu.dma_semaphore, #tpu.memory_space<semaphore_mem>>) src(%arg6 : memref<8x4096xf32, #tpu.memory_space<vmem>>) dst(%dma_wait3A_94 : memref<8x4096xf32, #tpu.memory_space<hbm>>)
        tpu.yield
      }) : () -> ()
      %add3A_43 = arith.constant 3 : i32
      %add3A_44 = arith.addi %add3A_33, %add3A_43 : i32
      %lt3A = arith.constant 64 : i32
      %lt3A_45 = arith.cmpi slt, %add3A_44, %lt3A : i32
      %convert_element_type3A = arith.extui %lt3A_45 : i1 to i32
      %cond3A = arith.constant 0 : i32
      %cond3A_46 = arith.cmpi ne, %convert_element_type3A, %cond3A : i32
      scf.if %cond3A_46 {
        %add3A_87 = arith.constant 3 : i32
        %add3A_88 = arith.addi %add3A_33, %add3A_87 : i32
        %mul3A_89 = arith.constant 8 : i32
        %mul3A_90 = arith.muli %add3A_88, %mul3A_89 : i32
        %dma_start3A_91 = tpu.memref_slice %arg5[%mul3A_90] : memref<512xi32, #tpu.memory_space<vmem>> -> memref<8xi32, #tpu.memory_space<vmem>>
        %dma_start3A_92 = arith.constant 0 : i32
        %dma_start3A_93 = arith.constant 0 : i32
        %dma_start3A_94 = tpu.memref_slice %arg3[%dma_start3A_92, %dma_start3A_93] : memref<128000x4096xf32, #tpu.memory_space<hbm>> -> memref<128000x4096xf32, #tpu.memory_space<hbm>>
        tpu.enqueue_indirect_dma source(%dma_start3A_94 : memref<128000x4096xf32, #tpu.memory_space<hbm>>) target(%arg6 : memref<8x4096xf32, #tpu.memory_space<vmem>>) offsets(%dma_start3A_91 : memref<8xi32, #tpu.memory_space<vmem>>) semaphore(%arg9 : memref<!tpu.dma_semaphore, #tpu.memory_space<semaphore_mem>>)
      } else {
      }
      %mul3A_47 = arith.constant 3 : i32
      %mul3A_48 = arith.muli %mul3A_47, %scan3A_29 : i32
      %add3A_49 = arith.constant 1 : i32
      %add3A_50 = arith.addi %mul3A_48, %add3A_49 : i32
      %dma_wait3A_51 = arith.constant 0 : i32
      %dma_wait3A_52 = arith.constant 0 : i32
      %dma_wait3A_53 = tpu.memref_slice %arg3[%dma_wait3A_51, %dma_wait3A_52] : memref<128000x4096xf32, #tpu.memory_space<hbm>> -> memref<8x4096xf32, #tpu.memory_space<hbm>>
      %dma_wait3A_54 = arith.constant 0 : i32
      %dma_wait3A_55 = arith.constant 0 : i32
      %dma_wait3A_56 = tpu.memref_slice %arg3[%dma_wait3A_54, %dma_wait3A_55] : memref<128000x4096xf32, #tpu.memory_space<hbm>> -> memref<8x4096xf32, #tpu.memory_space<hbm>>
      tpu.wait_dma2 semaphore(%arg10 : memref<!tpu.dma_semaphore, #tpu.memory_space<semaphore_mem>>) src(%dma_wait3A_56 : memref<8x4096xf32, #tpu.memory_space<hbm>>) dst(%arg7 : memref<8x4096xf32, #tpu.memory_space<vmem>>)
      %mul3A_57 = arith.constant 8 : i32
      %mul3A_58 = arith.muli %add3A_50, %mul3A_57 : i32
      %add3A_59 = arith.addi %mul3A_2, %mul3A_58 : i32
      "tpu.region"() ({
        %run_scoped3A = tpu.sem_alloc : memref<!tpu.dma_semaphore, #tpu.memory_space<semaphore_mem>>
        %dma_start3A_87 = arith.constant 0 : i32
        %dma_start3A_88 = tpu.memref_slice %arg4[%add3A_59, %dma_start3A_87] : memref<16384x4096xf32, #tpu.memory_space<hbm>> -> memref<8x4096xf32, #tpu.memory_space<hbm>>
        %dma_start3A_89 = arith.constant 0 : i32
        %dma_start3A_90 = tpu.memref_slice %arg4[%add3A_59, %dma_start3A_89] : memref<16384x4096xf32, #tpu.memory_space<hbm>> -> memref<8x4096xf32, #tpu.memory_space<hbm>>
        tpu.enqueue_dma source(%arg7 : memref<8x4096xf32, #tpu.memory_space<vmem>>) target(%dma_start3A_90 : memref<8x4096xf32, #tpu.memory_space<hbm>>) target_semaphore(%run_scoped3A : memref<!tpu.dma_semaphore, #tpu.memory_space<semaphore_mem>>)
        %dma_wait3A_91 = arith.constant 0 : i32
        %dma_wait3A_92 = tpu.memref_slice %arg4[%add3A_59, %dma_wait3A_91] : memref<16384x4096xf32, #tpu.memory_space<hbm>> -> memref<8x4096xf32, #tpu.memory_space<hbm>>
        %dma_wait3A_93 = arith.constant 0 : i32
        %dma_wait3A_94 = tpu.memref_slice %arg4[%add3A_59, %dma_wait3A_93] : memref<16384x4096xf32, #tpu.memory_space<hbm>> -> memref<8x4096xf32, #tpu.memory_space<hbm>>
        tpu.wait_dma2 semaphore(%run_scoped3A : memref<!tpu.dma_semaphore, #tpu.memory_space<semaphore_mem>>) src(%arg7 : memref<8x4096xf32, #tpu.memory_space<vmem>>) dst(%dma_wait3A_94 : memref<8x4096xf32, #tpu.memory_space<hbm>>)
        tpu.yield
      }) : () -> ()
      %add3A_60 = arith.constant 3 : i32
      %add3A_61 = arith.addi %add3A_50, %add3A_60 : i32
      %lt3A_62 = arith.constant 64 : i32
      %lt3A_63 = arith.cmpi slt, %add3A_61, %lt3A_62 : i32
      %convert_element_type3A_64 = arith.extui %lt3A_63 : i1 to i32
      %cond3A_65 = arith.constant 0 : i32
      %cond3A_66 = arith.cmpi ne, %convert_element_type3A_64, %cond3A_65 : i32
      scf.if %cond3A_66 {
        %add3A_87 = arith.constant 3 : i32
        %add3A_88 = arith.addi %add3A_50, %add3A_87 : i32
        %mul3A_89 = arith.constant 8 : i32
        %mul3A_90 = arith.muli %add3A_88, %mul3A_89 : i32
        %dma_start3A_91 = tpu.memref_slice %arg5[%mul3A_90] : memref<512xi32, #tpu.memory_space<vmem>> -> memref<8xi32, #tpu.memory_space<vmem>>
        %dma_start3A_92 = arith.constant 0 : i32
        %dma_start3A_93 = arith.constant 0 : i32
        %dma_start3A_94 = tpu.memref_slice %arg3[%dma_start3A_92, %dma_start3A_93] : memref<128000x4096xf32, #tpu.memory_space<hbm>> -> memref<128000x4096xf32, #tpu.memory_space<hbm>>
        tpu.enqueue_indirect_dma source(%dma_start3A_94 : memref<128000x4096xf32, #tpu.memory_space<hbm>>) target(%arg7 : memref<8x4096xf32, #tpu.memory_space<vmem>>) offsets(%dma_start3A_91 : memref<8xi32, #tpu.memory_space<vmem>>) semaphore(%arg10 : memref<!tpu.dma_semaphore, #tpu.memory_space<semaphore_mem>>)
      } else {
      }
      %mul3A_67 = arith.constant 3 : i32
      %mul3A_68 = arith.muli %mul3A_67, %scan3A_29 : i32
      %add3A_69 = arith.constant 2 : i32
      %add3A_70 = arith.addi %mul3A_68, %add3A_69 : i32
      %dma_wait3A_71 = arith.constant 0 : i32
      %dma_wait3A_72 = arith.constant 0 : i32
      %dma_wait3A_73 = tpu.memref_slice %arg3[%dma_wait3A_71, %dma_wait3A_72] : memref<128000x4096xf32, #tpu.memory_space<hbm>> -> memref<8x4096xf32, #tpu.memory_space<hbm>>
      %dma_wait3A_74 = arith.constant 0 : i32
      %dma_wait3A_75 = arith.constant 0 : i32
      %dma_wait3A_76 = tpu.memref_slice %arg3[%dma_wait3A_74, %dma_wait3A_75] : memref<128000x4096xf32, #tpu.memory_space<hbm>> -> memref<8x4096xf32, #tpu.memory_space<hbm>>
      tpu.wait_dma2 semaphore(%arg11 : memref<!tpu.dma_semaphore, #tpu.memory_space<semaphore_mem>>) src(%dma_wait3A_76 : memref<8x4096xf32, #tpu.memory_space<hbm>>) dst(%arg8 : memref<8x4096xf32, #tpu.memory_space<vmem>>)
      %mul3A_77 = arith.constant 8 : i32
      %mul3A_78 = arith.muli %add3A_70, %mul3A_77 : i32
      %add3A_79 = arith.addi %mul3A_2, %mul3A_78 : i32
      "tpu.region"() ({
        %run_scoped3A = tpu.sem_alloc : memref<!tpu.dma_semaphore, #tpu.memory_space<semaphore_mem>>
        %dma_start3A_87 = arith.constant 0 : i32
        %dma_start3A_88 = tpu.memref_slice %arg4[%add3A_79, %dma_start3A_87] : memref<16384x4096xf32, #tpu.memory_space<hbm>> -> memref<8x4096xf32, #tpu.memory_space<hbm>>
        %dma_start3A_89 = arith.constant 0 : i32
        %dma_start3A_90 = tpu.memref_slice %arg4[%add3A_79, %dma_start3A_89] : memref<16384x4096xf32, #tpu.memory_space<hbm>> -> memref<8x4096xf32, #tpu.memory_space<hbm>>
        tpu.enqueue_dma source(%arg8 : memref<8x4096xf32, #tpu.memory_space<vmem>>) target(%dma_start3A_90 : memref<8x4096xf32, #tpu.memory_space<hbm>>) target_semaphore(%run_scoped3A : memref<!tpu.dma_semaphore, #tpu.memory_space<semaphore_mem>>)
        %dma_wait3A_91 = arith.constant 0 : i32
        %dma_wait3A_92 = tpu.memref_slice %arg4[%add3A_79, %dma_wait3A_91] : memref<16384x4096xf32, #tpu.memory_space<hbm>> -> memref<8x4096xf32, #tpu.memory_space<hbm>>
        %dma_wait3A_93 = arith.constant 0 : i32
        %dma_wait3A_94 = tpu.memref_slice %arg4[%add3A_79, %dma_wait3A_93] : memref<16384x4096xf32, #tpu.memory_space<hbm>> -> memref<8x4096xf32, #tpu.memory_space<hbm>>
        tpu.wait_dma2 semaphore(%run_scoped3A : memref<!tpu.dma_semaphore, #tpu.memory_space<semaphore_mem>>) src(%arg8 : memref<8x4096xf32, #tpu.memory_space<vmem>>) dst(%dma_wait3A_94 : memref<8x4096xf32, #tpu.memory_space<hbm>>)
        tpu.yield
      }) : () -> ()
      %add3A_80 = arith.constant 3 : i32
      %add3A_81 = arith.addi %add3A_70, %add3A_80 : i32
      %lt3A_82 = arith.constant 64 : i32
      %lt3A_83 = arith.cmpi slt, %add3A_81, %lt3A_82 : i32
      %convert_element_type3A_84 = arith.extui %lt3A_83 : i1 to i32
      %cond3A_85 = arith.constant 0 : i32
      %cond3A_86 = arith.cmpi ne, %convert_element_type3A_84, %cond3A_85 : i32
      scf.if %cond3A_86 {
        %add3A_87 = arith.constant 3 : i32
        %add3A_88 = arith.addi %add3A_70, %add3A_87 : i32
        %mul3A_89 = arith.constant 8 : i32
        %mul3A_90 = arith.muli %add3A_88, %mul3A_89 : i32
        %dma_start3A_91 = tpu.memref_slice %arg5[%mul3A_90] : memref<512xi32, #tpu.memory_space<vmem>> -> memref<8xi32, #tpu.memory_space<vmem>>
        %dma_start3A_92 = arith.constant 0 : i32
        %dma_start3A_93 = arith.constant 0 : i32
        %dma_start3A_94 = tpu.memref_slice %arg3[%dma_start3A_92, %dma_start3A_93] : memref<128000x4096xf32, #tpu.memory_space<hbm>> -> memref<128000x4096xf32, #tpu.memory_space<hbm>>
        tpu.enqueue_indirect_dma source(%dma_start3A_94 : memref<128000x4096xf32, #tpu.memory_space<hbm>>) target(%arg8 : memref<8x4096xf32, #tpu.memory_space<vmem>>) offsets(%dma_start3A_91 : memref<8xi32, #tpu.memory_space<vmem>>) semaphore(%arg11 : memref<!tpu.dma_semaphore, #tpu.memory_space<semaphore_mem>>)
      } else {
      }
    }
    %scan3A_21 = arith.constant 21 : i32
    %dma_wait3A = arith.constant 0 : i32
    %dma_wait3A_22 = arith.constant 0 : i32
    %dma_wait3A_23 = tpu.memref_slice %arg3[%dma_wait3A, %dma_wait3A_22] : memref<128000x4096xf32, #tpu.memory_space<hbm>> -> memref<8x4096xf32, #tpu.memory_space<hbm>>
    %dma_wait3A_24 = arith.constant 0 : i32
    %dma_wait3A_25 = arith.constant 0 : i32
    %dma_wait3A_26 = tpu.memref_slice %arg3[%dma_wait3A_24, %dma_wait3A_25] : memref<128000x4096xf32, #tpu.memory_space<hbm>> -> memref<8x4096xf32, #tpu.memory_space<hbm>>
    tpu.wait_dma2 semaphore(%arg9 : memref<!tpu.dma_semaphore, #tpu.memory_space<semaphore_mem>>) src(%dma_wait3A_26 : memref<8x4096xf32, #tpu.memory_space<hbm>>) dst(%arg6 : memref<8x4096xf32, #tpu.memory_space<vmem>>)
    %add3A_27 = arith.constant 504 : i32
    %add3A_28 = arith.addi %mul3A_2, %add3A_27 : i32
    "tpu.region"() ({
      %run_scoped3A = tpu.sem_alloc : memref<!tpu.dma_semaphore, #tpu.memory_space<semaphore_mem>>
      %dma_start3A_29 = arith.constant 0 : i32
      %dma_start3A_30 = tpu.memref_slice %arg4[%add3A_28, %dma_start3A_29] : memref<16384x4096xf32, #tpu.memory_space<hbm>> -> memref<8x4096xf32, #tpu.memory_space<hbm>>
      %dma_start3A_31 = arith.constant 0 : i32
      %dma_start3A_32 = tpu.memref_slice %arg4[%add3A_28, %dma_start3A_31] : memref<16384x4096xf32, #tpu.memory_space<hbm>> -> memref<8x4096xf32, #tpu.memory_space<hbm>>
      tpu.enqueue_dma source(%arg6 : memref<8x4096xf32, #tpu.memory_space<vmem>>) target(%dma_start3A_32 : memref<8x4096xf32, #tpu.memory_space<hbm>>) target_semaphore(%run_scoped3A : memref<!tpu.dma_semaphore, #tpu.memory_space<semaphore_mem>>)
      %dma_wait3A_33 = arith.constant 0 : i32
      %dma_wait3A_34 = tpu.memref_slice %arg4[%add3A_28, %dma_wait3A_33] : memref<16384x4096xf32, #tpu.memory_space<hbm>> -> memref<8x4096xf32, #tpu.memory_space<hbm>>
      %dma_wait3A_35 = arith.constant 0 : i32
      %dma_wait3A_36 = tpu.memref_slice %arg4[%add3A_28, %dma_wait3A_35] : memref<16384x4096xf32, #tpu.memory_space<hbm>> -> memref<8x4096xf32, #tpu.memory_space<hbm>>
      tpu.wait_dma2 semaphore(%run_scoped3A : memref<!tpu.dma_semaphore, #tpu.memory_space<semaphore_mem>>) src(%arg6 : memref<8x4096xf32, #tpu.memory_space<vmem>>) dst(%dma_wait3A_36 : memref<8x4096xf32, #tpu.memory_space<hbm>>)
      tpu.yield
    }) : () -> ()
    return
  }
}

</mosaic_0001>

<sc_bundles>
// kernel: kernel.3.cloned.1.call-start
scs
__scs_entry_jumppad:
0x0: {  	(pc) =	sbr.rel $0x88, $3  }
0x1: {  	(tag) =	ssettag $0x0;
	lr =	simm.s32 $0x1  }
0x2: {  	[smem:$0x3F9F] =	sst lr;
	_ =	strace $0xD0000000  }
0x3: {  	_ = 	snop  }
0x4: {  	_ = 	snop  }
0x5: {  	_ = 	snop  }
0x6: {  	_ = 	snop  }
0x7: {  	_ = 	snop  }
__scs_overlays_trampoline_lowered:
0x8: {  	[smem:$0x3FAE] =	sst s0  }
0x9: {  	[smem:$0x3FAF] =	sst s1  }
0xa: {  	[smem:$0x3FB0] =	sst s2  }
0xb: {  	[smem:$0x3FB1] =	sst s3  }
0xc: {  	[smem:$0x3FB2] =	sst s4  }
0xd: {  	[smem:$0x3FB3] =	sst s5  }
0xe: {  	[smem:$0x3FB4] =	sst s6  }
0xf: {  	[smem:$0x3FB5] =	sst s7  }
0x10: {  	[smem:$0x3FB6] =	sst s8  }
0x11: {  	[smem:$0x3FB7] =	sst s9;
	s0 =	simm.s32 @!p0 $0x0  }
0x12: {  	s1 =	sld [smem:$0x3F9D];
	s0 =	simm.s32 @p0 $0x1  }
0x13: {  	[smem:$0x3FB8] =	sst s0;
	s0 =	simm.s32 @!p1 $0x0  }
0x14: {  	s2 =	sld [smem:$0x3F9C];
	s0 =	simm.s32 @p1 $0x1  }
0x15: {  	[smem:$0x3FB9] =	sst s0;
	s0 =	simm.s32 @!p2 $0x0  }
0x16: {  	s3 =	sld [smem:$0x3FDB];
	s0 =	simm.s32 @p2 $0x1  }
0x17: {  	s4 =	simm.s32 $0x1BF5;
	[smem:$0x3FBB] =	sst s0  }
0x18: {  	s0 =	sld [smem:$0x3F9E];
	_ =	swait.ge [sflag:s4], $0x0  }
0x19: {  	s7 =	sld [smem:$0x3F9F]  }
0x1a: {  	s8 =	sadd.s32 $0xFFFFE003, lr  }
0x1b: {  	s9 =	sadd.s32 $0xFFFFFEF7, lr;
	s5 =	simm.s32 $0xFFFFFFFF;
	p2 =	slt.u32 s8, $0xFFFFF086  }
0x1c: {  	p1 =	slt.u32 s9, $0xF7A;
	s5 =	simm.s32 @!p2 $0x0  }
0x1d: {  	s5 =	simm.s32 @p1 $0x1;
	p0 =	seq.s32 s7, s2  }
0x1e: {  	s7 =	smul.u32 @!p0 $0xF7A, s2;
	p2 =	seq.s32 @!p0 s5, $0x0  }
0x1f: {  	s9 =	smul.u32 $0xF7A, s1;
	s8 =	simm.s32 @!p0 $0x1BF5;
	p2 =	por !p2, p0  }
0x20: {  	[sflag:s8] =	ssyncset.s32 @!p0 $0xFFFFF086;
	s6 =	sadd.s32 @!p0 s3, s7;
	s7 =	simm.s32 @!p0 $0x108  }
0x21: {  	s3 =	sadd.s32 s3, s9;
	s6 =	sadd.s32 @!p0 $0x88, s6;
	s7 =	simm.s32 @p2 $0x1082  }
0x22: {  	[simem:s7], [sflag:s8] =	dma.local @!p0 [hbm:s6], $0xF7A  }
0x23: {  	s9 =	sor.u32 $0xD0000000, s2;
	s6 =	simm.s32 $0x108;
	_ =	swait.ge @!p0 [sflag:s8], $0x0  }
0x24: {  	s3 =	sadd.s32 $0x88, s3;
	s6 =	simm.s32 @!p1 $0x1082;
	[sflag:s4] =	ssyncset.s32 $0xFFFFF086  }
0x25: {  	[simem:s6], [sflag:s4] =	dma.local [hbm:s3], $0xF7A  }
0x26: {  	[smem:$0x3F9F] =	sst s1;
	(tag) =	ssettag s2;
	_ =	strace s9  }
0x27: {  	s1 =	sld [smem:$0x3FAF]  }
0x28: {  	s2 =	sld [smem:$0x3FB0]  }
0x29: {  	s4 =	sld [smem:$0x3FB2]  }
0x2a: {  	p0 =	seq.s32 s5, $0x0;
	s5 =	sld [smem:$0x3FB3]  }
0x2b: {  	s6 =	sld [smem:$0x3FB4]  }
0x2c: {  	s7 =	sld [smem:$0x3FB5]  }
0x2d: {  	s3 =	simm.s32 $0x108;
	s8 =	sld [smem:$0x3FB6]  }
0x2e: {  	s3 =	simm.s32 @!p0 $0x1082;
	s9 =	sld [smem:$0x3FB7]  }
0x2f: {  	lr =	sadd.s32 s0, s3;
	s0 =	sld [smem:$0x3FAE]  }
0x30: {  	s3 =	sld [smem:$0x3FB1]  }
0x31: {  	[smem:$0x3FBA] =	sst s10  }
0x32: {  	s10 =	sld [smem:$0x3FB8];
	_ =	sdelay $0x3  }
0x33: {  	p0 =	seq.s32 s10, $0x1;
	s10 =	sld [smem:$0x3FBA];
	_ =	sdelay $0x3  }
0x34: {  	[smem:$0x3FBA] =	sst s10  }
0x35: {  	s10 =	sld [smem:$0x3FB9];
	_ =	sdelay $0x3  }
0x36: {  	p1 =	seq.s32 s10, $0x1;
	s10 =	sld [smem:$0x3FBA];
	_ =	sdelay $0x3  }
0x37: {  	[smem:$0x3FBA] =	sst s10  }
0x38: {  	s10 =	sld [smem:$0x3FBB]  }
0x39: {  	_ = 	snop;
	(pc) =	sbr.ind lr, $3  }
0x3a: {  	_ = 	snop  }
0x3b: {  	_ = 	snop  }
0x3c: {  	p2 =	seq.s32 s10, $0x1;
	s10 =	sld [smem:$0x3FBA]  }
0x3d: {  	_ =	shalt  }
0x3e: {  	_ =	shalt  }
0x3f: {  	_ =	shalt  }
0x40: {  	_ =	shalt  }
0x41: {  	_ =	shalt  }
0x42: {  	_ =	shalt  }
0x43: {  	_ =	shalt  }
0x44: {  	_ =	shalt  }
0x45: {  	_ =	shalt  }
0x46: {  	_ =	shalt  }
0x47: {  	_ =	shalt  }
0x48: {  	_ =	shalt  }
0x49: {  	_ =	shalt  }
0x4a: {  	_ =	shalt  }
0x4b: {  	_ =	shalt  }
0x4c: {  	_ =	shalt  }
0x4d: {  	_ =	shalt  }
0x4e: {  	_ =	shalt  }
0x4f: {  	_ =	shalt  }
0x50: {  	_ =	shalt  }
0x51: {  	_ =	shalt  }
0x52: {  	_ =	shalt  }
0x53: {  	_ =	shalt  }
0x54: {  	_ =	shalt  }
0x55: {  	_ =	shalt  }
0x56: {  	_ =	shalt  }
0x57: {  	_ =	shalt  }
0x58: {  	_ =	shalt  }
0x59: {  	_ =	shalt  }
0x5a: {  	_ =	shalt  }
0x5b: {  	_ =	shalt  }
0x5c: {  	_ =	shalt  }
0x5d: {  	_ =	shalt  }
0x5e: {  	_ =	shalt  }
0x5f: {  	_ =	shalt  }
0x60: {  	_ =	shalt  }
0x61: {  	_ =	shalt  }
0x62: {  	_ =	shalt  }
0x63: {  	_ =	shalt  }
0x64: {  	_ =	shalt  }
0x65: {  	_ =	shalt  }
0x66: {  	_ =	shalt  }
0x67: {  	_ =	shalt  }
0x68: {  	_ =	shalt  }
0x69: {  	_ =	shalt  }
0x6a: {  	_ =	shalt  }
0x6b: {  	_ =	shalt  }
0x6c: {  	_ =	shalt  }
0x6d: {  	_ =	shalt  }
0x6e: {  	_ =	shalt  }
0x6f: {  	_ =	shalt  }
0x70: {  	_ =	shalt  }
0x71: {  	_ =	shalt  }
0x72: {  	_ =	shalt  }
0x73: {  	_ =	shalt  }
0x74: {  	_ =	shalt  }
0x75: {  	_ =	shalt  }
0x76: {  	_ =	shalt  }
0x77: {  	_ =	shalt  }
0x78: {  	_ =	shalt  }
0x79: {  	_ =	shalt  }
0x7a: {  	_ =	shalt  }
0x7b: {  	_ =	shalt  }
0x7c: {  	_ =	shalt  }
0x7d: {  	_ =	shalt  }
0x7e: {  	_ =	shalt  }
0x7f: {  	_ =	shalt  }
0x80: {  	_ =	shalt  }
0x81: {  	_ =	shalt  }
0x82: {  	_ =	shalt  }
0x83: {  	_ =	shalt  }
0x84: {  	_ =	shalt  }
0x85: {  	_ =	shalt  }
0x86: {  	_ =	shalt  }
0x87: {  	_ =	shalt  }
.Lfunc_end0:
.L_simem_size_0:
called_computation_lowered:
.L_overlay_start_0:
0x88: {  	s2 =	sld [smem:$0x3FD9]  }
0x89: {  	s3 =	sld [smem:$0x3FFE];
	_ =	sdelay $0x1  }
0x8a: {  	s1 =	srdreg.scid  }
0x8b: {  	s0 =	sand.u32 $0x1, s1  }
0x8c: {  	s17 =	sshll.u32 s0, $0xA;
	s2 =	sadd.s32 s3, s2  }
0x8d: {  	s2 =	sadd.s32 s2, s17  }
0x8e: {  	[smem:$0x3FC6] =	sst s2  }
0x8f: {  	_ = 	snop  }
0x90: {  	s2 =	sld [smem:$0x3FC8]  }
0x91: {  	s18 =	sld [smem:$0x3FD0];
	(tm) =	ssettm $0x1  }
0x92: {  	s4 =	sld [smem:$0x3FFB];
	_ =	sdelay $0x3  }
0x93: {  	_ =	strace s4  }
0x94: {  	s4 =	sld [smem:$0x3FFC];
	_ =	sdelay $0x3  }
0x95: {  	_ =	strace s4  }
0x96: {  	s4 =	sld [smem:$0x3FFD];
	_ =	sdelay $0x3  }
0x97: {  	_ =	strace s4  }
0x98: {  	_ =	strace $0x8FFFFFFF  }
0x99: {  	s19 =	sld [smem:$0x3FDB];
	_ =	sdelay $0x1  }
0x9a: {  	s5 =	simm.s32 $_scs_section_size  }
0x9b: {  	s6 =	simm.s32 $_size__tile_overlayer_lowered;
	s7 =	simm.s32 $_tile_overlayer_lowered  }
0x9c: {  	s22 =	simm.s32 $0x1BFF;
	s21 =	sshll.u32 s7, $0x1;
	s4 =	sadd.s32 s5, s19  }
0x9d: {  	s8 =	simm.s32 $0x0;
	s20 =	sshll.u32 s6, $0x1;
	s6 =	sadd.s32 s21, s4  }
0x9e: {  	[timem:s8], [sflag:s22] =	dma.local [hbm:s6], s20  }
0x9f: {  	_ =	swait.ge [sflag:s22], s20  }
0xa0: {  	s5 =	ssub.s32 $0x0, s20;
	[sflag:s22] =	ssyncset.done $0x0  }
0xa1: {  	[sflag:s22] =	ssyncadd.s32 s5;
	_ =	sdelay $0x1  }
0xa2: {  	s23 =	simm.s32 $0x1B8B  }
0xa3: {  	_ =	swait.ge [sflag:s23], $0x1  }
0xa4: {  	[sflag:s23] =	ssyncset.done $0x0  }
0xa5: {  	s25 =	simm.s32 $0x1B8E;
	s24 =	sld [smem:$0x3FFE];
	[sflag:s23] =	ssyncadd.s32 $0xFFFFFFFF  }
0xa6: {  	s26 =	simm.s32 $execute0_lowered;
	[smem:$0x3FD2] =	sst s25  }
0xa7: {  	s6 =	sshll.u32 s26, $0x1;
	_ =	strace $0x80000046;
	[dreg:$0x1] =	wrdreg $0xFFFFFFFF  }
0xa8: {  	s28 =	simm.s32 $_size_execute0_lowered;
	s4 =	sadd.s32 s4, s6;
	[dreg:$0x0] =	wrdreg $0x0  }
0xa9: {  	s6 =	sshll.u32 s28, $0x1;
	[dreg:$0x2] =	wrdreg s4  }
0xaa: {  	[dreg:$0x3] =	wrdreg s6  }
0xab: {  	[dreg:$0x4] =	wrdreg $0xC0  }
0xac: {  	_ =	task [dreg:s8], $0x5FFFF  }
0xad: {  	[dreg:$0x1] =	wrdreg $0xFFFFFFFF  }
0xae: {  	[dreg:$0x0] =	wrdreg $0x60  }
0xaf: {  	[dreg:$0x2] =	wrdreg s24  }
0xb0: {  	[dreg:$0x3] =	wrdreg s2  }
0xb1: {  	[dreg:$0x4] =	wrdreg s18  }
0xb2: {  	[dreg:$0x5] =	wrdreg $0x9  }
0xb3: {  	_ =	task.clear_ibuf [dreg:s8], $0x6FFFF;
	_ =	strace $0x90000046  }
0xb4: {  	s29 =	simm.s32 $0x9;
	_ =	strace $0x80000048  }
0xb5: {  	_ =	swait.ge [sflag:s29], $0x1  }
0xb6: {  	[sflag:s29] =	ssyncadd.s32 $0xFFFFFFFF  }
0xb7: {  	_ =	strace $0x90000048  }
0xb8: {  	_ =	sfence  }
0xb9: {  	s30 =	sld [smem:$0x0];
	_ =	sdelay $0x2  }
0xba: {  	s31 =	sshll.u32 s1, $0xD;
	s1 =	sshrl.u32 s1, $0x2  }
0xbb: {  	s3 =	sand.u32 $0x4000, s31;
	s1 =	sadd.s32 s1, s30  }
0xbc: {  	s0 =	sor.u32 s3, s0;
	s1 =	sshll.u32 s1, $0x11  }
0xbd: {  	s0 =	sor.u32 s1, s0  }
0xbe: {  	s0 =	sadd.s32 $0x8F2B, s0  }
0xbf: {  	[sflag:s0] =	ssyncadd.remote.s32 $0x1  }
0xc0: {  	_ =	sfence.sel $0xFFFF  }
0xc1: {  	[dreg:$0x0] =	wrdreg $0xFFFFFFFF;
	(pc) =	sbr.abs _section_cstart, $3  }
0xc2: {  	[dreg:$0x1] =	wrdreg $0xFFFFFFFF  }
0xc3: {  	_ =	task.clear_ibuf [dreg:s8], $0x2FFFF;
	_ =	strace $0x9FFFFFFF  }
0xc4: {  	(tm) =	ssettm $0x7FFFFFFF  }
0xc5: {  	_ =	shalt  }
tec
execute0_lowered:
.L_overlay_start_1:
0x0: {  	(tag) =	ssettag $0x1  }
0x1: {  	s0 =	rddreg [dreg:$0x0]  }
0x2: {  	s2 =	rddreg [dreg:$0x1];
	s1 =	srdreg.scid  }
0x3: {  	s4 =	rddreg [dreg:$0x2];
	s22 =	stileid.u32;
	s3 =	simm.s32 $0x0  }
0x4: {  	s23 =	simm.s32 $0x4;
	s24 =	simm.s32 $0x200;
	s30 =	simm.s32 $0x10200  }
0x5: {  	s1 =	sand.u32 $0x1, s1;
	s5 =	sshll.u32 s22, $0xA;
	[smem:$0x7FF] =	sst s3  }
0x6: {  	s8 =	sadd.s32 $0x400, s2;
	s9 =	sadd.s32 $0x500, s2;
	s10 =	sadd.s32 $0x600, s2  }
0x7: {  	s11 =	sadd.s32 $0x700, s2;
	s12 =	sadd.s32 $0x800, s2;
	s13 =	sadd.s32 $0x900, s2  }
0x8: {  	s14 =	sadd.s32 $0xA00, s2;
	s15 =	sadd.s32 $0xB00, s2;
	s16 =	sadd.s32 $0xC00, s2  }
0x9: {  	s17 =	sadd.s32 $0xD00, s2;
	s18 =	sadd.s32 $0xE00, s2;
	s19 =	sadd.s32 $0xF00, s2  }
0xa: {  	s28 =	sshll.u32 s22, $0x13;
	s22 =	simm.s32 $0x3;
	s6 =	sshll.u32 s1, $0x9  }
0xb: {  	s25 =	ssub.s32 $0x2, s1;
	_ =	strace $0x80000047;
	s1 =	sshll.u32 s1, $0x12  }
0xc: {  	s20 =	sor.u32 s6, s5;
	s7 =	sshrl.u32 s25, $0x1;
	s5 =	sadd.s32 $0x100, s2  }
0xd: {  	s6 =	sshrl.u32 s20, $0x3;
	s21 =	ssub.s32 s25, s7;
	s7 =	sadd.s32 $0x300, s2  }
0xe: {  	s26 =	sshll.u32 s20, $0x9;
	s20 =	simm.s32 $0x1;
	s0 =	sadd.s32 s6, s0  }
0xf: {  	s6 =	sadd.s32 $0x200, s2;
	s29 =	smax.u32 s21, $0x1;
	s21 =	simm.s32 $0x2  }
.Ltmp0:
0x10: {  	s0 =	sadd.s32 $0x400, s0;
	[dreg:$0x6] =	wrdreg s29;
	(pc) =	sbr.rel .LBB2_1-.Ltmp0, $4  }
0x11: {  	[dreg:$0x4] =	wrdreg s0;
	s0 =	sadd.s32 s26, s4;
	s4 =	sadd.s32 s28, s4  }
0x12: {  	v0 =	vlaneseq.u32;
	s26 =	simm.s32 $0x0;
	s0 =	sadd.s32 $0x3F000, s0;
	s31 =	sadd.s32 s1, s4  }
0x13: {  	v1 =	vshrl.u32 v0, $0x3;
	s1 =	simm.s32 $0x17200;
	[dreg:$0x5] =	wrdreg s0;
	s0 =	sadd.s32 $0x2000, s31  }
0x14: {  	vm0 =	vmmov $0xffff;
	v0 =	vand.u32 $0x7, v0;
	v1 =	vmul.u32 $0x8, v1;
	s4 =	simm.s32 $0x17A00;
	[dreg:$0x7] =	wrdreg s0;
	s0 =	simm.s32 $0x16A00  }
.LBB2_4:
0x15: {  	_ =	swait.ge [sflag:s20], $0x8000  }
0x16: {  	[sflag:s20] =	ssyncset.done $0x0  }
0x17: {  	s25 =	rddreg [dreg:$0x5];
	[sflag:s20] =	ssyncadd.s32 $0xFFFF8000  }
0x18: {  	[hbm4b:s25+s3] =	stream.linear.scatter [tilespmem:s24], [sflag:$0x4], $0x8000, $0x38;
	[tilespmem:$0x18200] =	vst v63  }
0x19: {  	_ =	swait.ge [sflag:s23], $0x8000  }
0x1a: {  	s26 =	rddreg [dreg:$0x8]  }
0x1b: {  	s31 =	rddreg [dreg:$0x6];
	s26 =	sadd.s32 $0x1, s26  }
0x1c: {  	p0 =	sne.s32 s26, s31  }
.Ltmp1:
0x1d: {  	_ = 	snop;
	(pc) =	sbr.rel @!p0 .LBB2_5-.Ltmp1, $3  }
0x1e: {  	_ =	sdelay $0x1  }
0x1f: {  	[sflag:s23] =	ssyncset.done $0x0  }
0x20: {  	[sflag:s23] =	ssyncadd.s32 $0xFFFF8000  }
.LBB2_1:
0x21: {  	[dreg:$0x8] =	wrdreg s26  }
0x22: {  	s25 =	rddreg [dreg:$0x4]  }
0x23: {  	[tilespmem:s3], [sflag:$0x4] =	stream.linear.gather [hbm4b:s25+s3], $0x200, $0x38;
	[tilespmem:$0x18200] =	vst v63  }
0x24: {  	_ =	swait.ge [sflag:s23], $0x200  }
0x25: {  	[sflag:s23] =	ssyncset.done $0x0  }
0x26: {  	[sflag:s23] =	ssyncadd.s32 $0xFFFFFE00  }
0x27: {  	v2 =	vld.msk [tilespmem:$0x0], $0xff;
	_ =	sdelay $0x4  }
0x28: {  	v3 =	vshll.u32 v2, $0x5  }
0x29: {  	v2 =	vand.u32 $0x7, v2;
	v3 =	vand.u32 $0xFFFFFF00, v3  }
0x2a: {  	v2 =	vor.u32 v2, v3  }
0x2b: {  	v2 =	vperm.xlane v2, v0;
	_ =	sdelay $0x1  }
0x2c: {  	v2 =	vadd.s32 v1, v2;
	_ =	sdelay $0x4  }
0x2d: {  	[tilespmem:s24], [sflag:$0x1] =	stream.indirect_vreg.gather [hbm4b:s2+s3], $0x80, v2, vm0, $0xb8;
	[tilespmem:$0x18200] =	vst v63  }
0x2e: {  	s28 =	simm.s32 $0xA00  }
0x2f: {  	[tilespmem:s28], [sflag:$0x1] =	stream.indirect_vreg.gather [hbm4b:s5+s3], $0x80, v2, vm0, $0xb8;
	[tilespmem:$0x18200] =	vst v63  }
0x30: {  	s29 =	simm.s32 $0x1200  }
0x31: {  	[tilespmem:s29], [sflag:$0x1] =	stream.indirect_vreg.gather [hbm4b:s6+s3], $0x80, v2, vm0, $0xb8;
	[tilespmem:$0x18200] =	vst v63  }
0x32: {  	s31 =	simm.s32 $0x1A00  }
0x33: {  	[tilespmem:s31], [sflag:$0x1] =	stream.indirect_vreg.gather [hbm4b:s7+s3], $0x80, v2, vm0, $0xb8;
	[tilespmem:$0x18200] =	vst v63  }
0x34: {  	s26 =	simm.s32 $0x2200  }
0x35: {  	[tilespmem:s26], [sflag:$0x1] =	stream.indirect_vreg.gather [hbm4b:s8+s3], $0x80, v2, vm0, $0xb8;
	[tilespmem:$0x18200] =	vst v63  }
0x36: {  	s28 =	simm.s32 $0x2A00  }
0x37: {  	[tilespmem:s28], [sflag:$0x1] =	stream.indirect_vreg.gather [hbm4b:s9+s3], $0x80, v2, vm0, $0xb8;
	[tilespmem:$0x18200] =	vst v63  }
0x38: {  	s29 =	simm.s32 $0x3200  }
0x39: {  	[tilespmem:s29], [sflag:$0x1] =	stream.indirect_vreg.gather [hbm4b:s10+s3], $0x80, v2, vm0, $0xb8;
	[tilespmem:$0x18200] =	vst v63  }
0x3a: {  	s31 =	simm.s32 $0x3A00  }
0x3b: {  	[tilespmem:s31], [sflag:$0x1] =	stream.indirect_vreg.gather [hbm4b:s11+s3], $0x80, v2, vm0, $0xb8;
	[tilespmem:$0x18200] =	vst v63  }
0x3c: {  	s26 =	simm.s32 $0x4200  }
0x3d: {  	[tilespmem:s26], [sflag:$0x1] =	stream.indirect_vreg.gather [hbm4b:s12+s3], $0x80, v2, vm0, $0xb8;
	[tilespmem:$0x18200] =	vst v63  }
0x3e: {  	s28 =	simm.s32 $0x4A00  }
0x3f: {  	[tilespmem:s28], [sflag:$0x1] =	stream.indirect_vreg.gather [hbm4b:s13+s3], $0x80, v2, vm0, $0xb8;
	[tilespmem:$0x18200] =	vst v63  }
0x40: {  	s29 =	simm.s32 $0x5200  }
0x41: {  	[tilespmem:s29], [sflag:$0x1] =	stream.indirect_vreg.gather [hbm4b:s14+s3], $0x80, v2, vm0, $0xb8;
	[tilespmem:$0x18200] =	vst v63  }
0x42: {  	s31 =	simm.s32 $0x5A00  }
0x43: {  	[tilespmem:s31], [sflag:$0x1] =	stream.indirect_vreg.gather [hbm4b:s15+s3], $0x80, v2, vm0, $0xb8;
	[tilespmem:$0x18200] =	vst v63  }
0x44: {  	s26 =	simm.s32 $0x6200  }
0x45: {  	[tilespmem:s26], [sflag:$0x1] =	stream.indirect_vreg.gather [hbm4b:s16+s3], $0x80, v2, vm0, $0xb8;
	[tilespmem:$0x18200] =	vst v63  }
0x46: {  	s28 =	simm.s32 $0x6A00  }
0x47: {  	[tilespmem:s28], [sflag:$0x1] =	stream.indirect_vreg.gather [hbm4b:s17+s3], $0x80, v2, vm0, $0xb8;
	[tilespmem:$0x18200] =	vst v63  }
0x48: {  	s29 =	simm.s32 $0x7200  }
0x49: {  	[tilespmem:s29], [sflag:$0x1] =	stream.indirect_vreg.gather [hbm4b:s18+s3], $0x80, v2, vm0, $0xb8;
	[tilespmem:$0x18200] =	vst v63  }
0x4a: {  	s31 =	simm.s32 $0x7A00  }
0x4b: {  	[tilespmem:s31], [sflag:$0x1] =	stream.indirect_vreg.gather [hbm4b:s19+s3], $0x80, v2, vm0, $0xb8;
	[tilespmem:$0x18200] =	vst v63  }
0x4c: {  	v2 =	vld.msk [tilespmem:$0x8], $0xff;
	_ =	sdelay $0x4  }
0x4d: {  	v3 =	vshll.u32 v2, $0x5  }
0x4e: {  	v2 =	vand.u32 $0x7, v2;
	v3 =	vand.u32 $0xFFFFFF00, v3  }
0x4f: {  	v2 =	vor.u32 v2, v3  }
0x50: {  	v2 =	vperm.xlane v2, v0;
	_ =	sdelay $0x1  }
0x51: {  	v2 =	vadd.s32 v1, v2;
	_ =	sdelay $0x3  }
0x52: {  	s26 =	simm.s32 $0x8200  }
0x53: {  	[tilespmem:s26], [sflag:$0x2] =	stream.indirect_vreg.gather [hbm4b:s2+s3], $0x80, v2, vm0, $0xb8;
	[tilespmem:$0x18200] =	vst v63  }
0x54: {  	s28 =	simm.s32 $0x8A00  }
0x55: {  	[tilespmem:s28], [sflag:$0x2] =	stream.indirect_vreg.gather [hbm4b:s5+s3], $0x80, v2, vm0, $0xb8;
	[tilespmem:$0x18200] =	vst v63  }
0x56: {  	s29 =	simm.s32 $0x9200  }
0x57: {  	[tilespmem:s29], [sflag:$0x2] =	stream.indirect_vreg.gather [hbm4b:s6+s3], $0x80, v2, vm0, $0xb8;
	[tilespmem:$0x18200] =	vst v63  }
0x58: {  	s31 =	simm.s32 $0x9A00  }
0x59: {  	[tilespmem:s31], [sflag:$0x2] =	stream.indirect_vreg.gather [hbm4b:s7+s3], $0x80, v2, vm0, $0xb8;
	[tilespmem:$0x18200] =	vst v63  }
0x5a: {  	s26 =	simm.s32 $0xA200  }
0x5b: {  	[tilespmem:s26], [sflag:$0x2] =	stream.indirect_vreg.gather [hbm4b:s8+s3], $0x80, v2, vm0, $0xb8;
	[tilespmem:$0x18200] =	vst v63  }
0x5c: {  	s28 =	simm.s32 $0xAA00  }
0x5d: {  	[tilespmem:s28], [sflag:$0x2] =	stream.indirect_vreg.gather [hbm4b:s9+s3], $0x80, v2, vm0, $0xb8;
	[tilespmem:$0x18200] =	vst v63  }
0x5e: {  	s29 =	simm.s32 $0xB200  }
0x5f: {  	[tilespmem:s29], [sflag:$0x2] =	stream.indirect_vreg.gather [hbm4b:s10+s3], $0x80, v2, vm0, $0xb8;
	[tilespmem:$0x18200] =	vst v63  }
0x60: {  	s31 =	simm.s32 $0xBA00  }
0x61: {  	[tilespmem:s31], [sflag:$0x2] =	stream.indirect_vreg.gather [hbm4b:s11+s3], $0x80, v2, vm0, $0xb8;
	[tilespmem:$0x18200] =	vst v63  }
0x62: {  	s26 =	simm.s32 $0xC200  }
0x63: {  	[tilespmem:s26], [sflag:$0x2] =	stream.indirect_vreg.gather [hbm4b:s12+s3], $0x80, v2, vm0, $0xb8;
	[tilespmem:$0x18200] =	vst v63  }
0x64: {  	s28 =	simm.s32 $0xCA00  }
0x65: {  	[tilespmem:s28], [sflag:$0x2] =	stream.indirect_vreg.gather [hbm4b:s13+s3], $0x80, v2, vm0, $0xb8;
	[tilespmem:$0x18200] =	vst v63  }
0x66: {  	s29 =	simm.s32 $0xD200  }
0x67: {  	[tilespmem:s29], [sflag:$0x2] =	stream.indirect_vreg.gather [hbm4b:s14+s3], $0x80, v2, vm0, $0xb8;
	[tilespmem:$0x18200] =	vst v63  }
0x68: {  	s31 =	simm.s32 $0xDA00  }
0x69: {  	[tilespmem:s31], [sflag:$0x2] =	stream.indirect_vreg.gather [hbm4b:s15+s3], $0x80, v2, vm0, $0xb8;
	[tilespmem:$0x18200] =	vst v63  }
0x6a: {  	s26 =	simm.s32 $0xE200  }
0x6b: {  	[tilespmem:s26], [sflag:$0x2] =	stream.indirect_vreg.gather [hbm4b:s16+s3], $0x80, v2, vm0, $0xb8;
	[tilespmem:$0x18200] =	vst v63  }
0x6c: {  	s28 =	simm.s32 $0xEA00  }
0x6d: {  	[tilespmem:s28], [sflag:$0x2] =	stream.indirect_vreg.gather [hbm4b:s17+s3], $0x80, v2, vm0, $0xb8;
	[tilespmem:$0x18200] =	vst v63  }
0x6e: {  	s29 =	simm.s32 $0xF200  }
0x6f: {  	[tilespmem:s29], [sflag:$0x2] =	stream.indirect_vreg.gather [hbm4b:s18+s3], $0x80, v2, vm0, $0xb8;
	[tilespmem:$0x18200] =	vst v63  }
0x70: {  	s31 =	simm.s32 $0xFA00  }
0x71: {  	[tilespmem:s31], [sflag:$0x2] =	stream.indirect_vreg.gather [hbm4b:s19+s3], $0x80, v2, vm0, $0xb8;
	[tilespmem:$0x18200] =	vst v63  }
0x72: {  	v2 =	vld.msk [tilespmem:$0x10], $0xff;
	_ =	sdelay $0x4  }
0x73: {  	v3 =	vshll.u32 v2, $0x5  }
0x74: {  	v2 =	vand.u32 $0x7, v2;
	v3 =	vand.u32 $0xFFFFFF00, v3  }
0x75: {  	v2 =	vor.u32 v2, v3  }
0x76: {  	v2 =	vperm.xlane v2, v0;
	_ =	sdelay $0x1  }
0x77: {  	v2 =	vadd.s32 v1, v2;
	_ =	sdelay $0x4  }
0x78: {  	[tilespmem:s30], [sflag:$0x3] =	stream.indirect_vreg.gather [hbm4b:s2+s3], $0x80, v2, vm0, $0xb8;
	[tilespmem:$0x18200] =	vst v63  }
0x79: {  	s26 =	simm.s32 $0x10A00  }
0x7a: {  	[tilespmem:s26], [sflag:$0x3] =	stream.indirect_vreg.gather [hbm4b:s5+s3], $0x80, v2, vm0, $0xb8;
	[tilespmem:$0x18200] =	vst v63  }
0x7b: {  	s28 =	simm.s32 $0x11200  }
0x7c: {  	[tilespmem:s28], [sflag:$0x3] =	stream.indirect_vreg.gather [hbm4b:s6+s3], $0x80, v2, vm0, $0xb8;
	[tilespmem:$0x18200] =	vst v63  }
0x7d: {  	s29 =	simm.s32 $0x11A00  }
0x7e: {  	[tilespmem:s29], [sflag:$0x3] =	stream.indirect_vreg.gather [hbm4b:s7+s3], $0x80, v2, vm0, $0xb8;
	[tilespmem:$0x18200] =	vst v63  }
0x7f: {  	s31 =	simm.s32 $0x12200  }
0x80: {  	[tilespmem:s31], [sflag:$0x3] =	stream.indirect_vreg.gather [hbm4b:s8+s3], $0x80, v2, vm0, $0xb8;
	[tilespmem:$0x18200] =	vst v63  }
0x81: {  	s26 =	simm.s32 $0x12A00  }
0x82: {  	[tilespmem:s26], [sflag:$0x3] =	stream.indirect_vreg.gather [hbm4b:s9+s3], $0x80, v2, vm0, $0xb8;
	[tilespmem:$0x18200] =	vst v63  }
0x83: {  	s28 =	simm.s32 $0x13200  }
0x84: {  	[tilespmem:s28], [sflag:$0x3] =	stream.indirect_vreg.gather [hbm4b:s10+s3], $0x80, v2, vm0, $0xb8;
	[tilespmem:$0x18200] =	vst v63  }
0x85: {  	s29 =	simm.s32 $0x13A00  }
0x86: {  	[tilespmem:s29], [sflag:$0x3] =	stream.indirect_vreg.gather [hbm4b:s11+s3], $0x80, v2, vm0, $0xb8;
	[tilespmem:$0x18200] =	vst v63  }
0x87: {  	s31 =	simm.s32 $0x14200  }
0x88: {  	[tilespmem:s31], [sflag:$0x3] =	stream.indirect_vreg.gather [hbm4b:s12+s3], $0x80, v2, vm0, $0xb8;
	[tilespmem:$0x18200] =	vst v63  }
0x89: {  	s26 =	simm.s32 $0x14A00  }
0x8a: {  	[tilespmem:s26], [sflag:$0x3] =	stream.indirect_vreg.gather [hbm4b:s13+s3], $0x80, v2, vm0, $0xb8;
	[tilespmem:$0x18200] =	vst v63  }
0x8b: {  	s28 =	simm.s32 $0x15200  }
0x8c: {  	[tilespmem:s28], [sflag:$0x3] =	stream.indirect_vreg.gather [hbm4b:s14+s3], $0x80, v2, vm0, $0xb8;
	[tilespmem:$0x18200] =	vst v63  }
0x8d: {  	s29 =	simm.s32 $0x15A00  }
0x8e: {  	[tilespmem:s29], [sflag:$0x3] =	stream.indirect_vreg.gather [hbm4b:s15+s3], $0x80, v2, vm0, $0xb8;
	[tilespmem:$0x18200] =	vst v63  }
0x8f: {  	s31 =	simm.s32 $0x16200  }
0x90: {  	[tilespmem:s31], [sflag:$0x3] =	stream.indirect_vreg.gather [hbm4b:s16+s3], $0x80, v2, vm0, $0xb8;
	[tilespmem:$0x18200] =	vst v63  }
0x91: {  	_ = 	snop  }
0x92: {  	[tilespmem:s0], [sflag:$0x3] =	stream.indirect_vreg.gather [hbm4b:s17+s3], $0x80, v2, vm0, $0xb8;
	[tilespmem:$0x18200] =	vst v63  }
0x93: {  	_ = 	snop  }
0x94: {  	[tilespmem:s1], [sflag:$0x3] =	stream.indirect_vreg.gather [hbm4b:s18+s3], $0x80, v2, vm0, $0xb8;
	[tilespmem:$0x18200] =	vst v63  }
0x95: {  	s25 =	simm.s32 $0x0;
	s26 =	rddreg [dreg:$0x7]  }
0x96: {  	[tilespmem:s4], [sflag:$0x3] =	stream.indirect_vreg.gather [hbm4b:s19+s3], $0x80, v2, vm0, $0xb8;
	[tilespmem:$0x18200] =	vst v63  }
.LBB2_2:
0x97: {  	_ =	swait.ge [sflag:s20], $0x8000  }
0x98: {  	[sflag:s20] =	ssyncset.done $0x0  }
0x99: {  	s28 =	sadd.s32 $0xFFFFE000, s26;
	[sflag:s20] =	ssyncadd.s32 $0xFFFF8000  }
0x9a: {  	[hbm4b:s28+s3] =	stream.linear.scatter [tilespmem:s24], [sflag:$0x4], $0x8000, $0x38;
	[tilespmem:$0x18200] =	vst v63  }
0x9b: {  	_ =	swait.ge [sflag:s23], $0x8000  }
0x9c: {  	[sflag:s23] =	ssyncset.done $0x0  }
0x9d: {  	s28 =	sshra.s32 s25, $0x2;
	[sflag:s23] =	ssyncadd.s32 $0xFFFF8000  }
0x9e: {  	v2 =	vld.msk [tilespmem:s28+$0x18], $0xff;
	_ =	sdelay $0x4  }
0x9f: {  	v3 =	vshll.u32 v2, $0x5  }
0xa0: {  	v2 =	vand.u32 $0x7, v2;
	v3 =	vand.u32 $0xFFFFFF00, v3  }
0xa1: {  	v2 =	vor.u32 v2, v3  }
0xa2: {  	v2 =	vperm.xlane v2, v0;
	_ =	sdelay $0x1  }
0xa3: {  	v2 =	vadd.s32 v1, v2;
	_ =	sdelay $0x4  }
0xa4: {  	[tilespmem:s24], [sflag:$0x1] =	stream.indirect_vreg.gather [hbm4b:s2+s3], $0x80, v2, vm0, $0xb8;
	[tilespmem:$0x18200] =	vst v63  }
0xa5: {  	s29 =	simm.s32 $0xA00  }
0xa6: {  	[tilespmem:s29], [sflag:$0x1] =	stream.indirect_vreg.gather [hbm4b:s5+s3], $0x80, v2, vm0, $0xb8;
	[tilespmem:$0x18200] =	vst v63  }
0xa7: {  	s31 =	simm.s32 $0x1200  }
0xa8: {  	[tilespmem:s31], [sflag:$0x1] =	stream.indirect_vreg.gather [hbm4b:s6+s3], $0x80, v2, vm0, $0xb8;
	[tilespmem:$0x18200] =	vst v63  }
0xa9: {  	s31 =	simm.s32 $0x1A00  }
0xaa: {  	[tilespmem:s31], [sflag:$0x1] =	stream.indirect_vreg.gather [hbm4b:s7+s3], $0x80, v2, vm0, $0xb8;
	[tilespmem:$0x18200] =	vst v63  }
0xab: {  	s31 =	simm.s32 $0x2200  }
0xac: {  	[tilespmem:s31], [sflag:$0x1] =	stream.indirect_vreg.gather [hbm4b:s8+s3], $0x80, v2, vm0, $0xb8;
	[tilespmem:$0x18200] =	vst v63  }
0xad: {  	s31 =	simm.s32 $0x2A00  }
0xae: {  	[tilespmem:s31], [sflag:$0x1] =	stream.indirect_vreg.gather [hbm4b:s9+s3], $0x80, v2, vm0, $0xb8;
	[tilespmem:$0x18200] =	vst v63  }
0xaf: {  	s31 =	simm.s32 $0x3200  }
0xb0: {  	[tilespmem:s31], [sflag:$0x1] =	stream.indirect_vreg.gather [hbm4b:s10+s3], $0x80, v2, vm0, $0xb8;
	[tilespmem:$0x18200] =	vst v63  }
0xb1: {  	s31 =	simm.s32 $0x3A00  }
0xb2: {  	[tilespmem:s31], [sflag:$0x1] =	stream.indirect_vreg.gather [hbm4b:s11+s3], $0x80, v2, vm0, $0xb8;
	[tilespmem:$0x18200] =	vst v63  }
0xb3: {  	s31 =	simm.s32 $0x4200  }
0xb4: {  	[tilespmem:s31], [sflag:$0x1] =	stream.indirect_vreg.gather [hbm4b:s12+s3], $0x80, v2, vm0, $0xb8;
	[tilespmem:$0x18200] =	vst v63  }
0xb5: {  	s31 =	simm.s32 $0x4A00  }
0xb6: {  	[tilespmem:s31], [sflag:$0x1] =	stream.indirect_vreg.gather [hbm4b:s13+s3], $0x80, v2, vm0, $0xb8;
	[tilespmem:$0x18200] =	vst v63  }
0xb7: {  	s31 =	simm.s32 $0x5200  }
0xb8: {  	[tilespmem:s31], [sflag:$0x1] =	stream.indirect_vreg.gather [hbm4b:s14+s3], $0x80, v2, vm0, $0xb8;
	[tilespmem:$0x18200] =	vst v63  }
0xb9: {  	s31 =	simm.s32 $0x5A00  }
0xba: {  	[tilespmem:s31], [sflag:$0x1] =	stream.indirect_vreg.gather [hbm4b:s15+s3], $0x80, v2, vm0, $0xb8;
	[tilespmem:$0x18200] =	vst v63  }
0xbb: {  	s31 =	simm.s32 $0x6200  }
0xbc: {  	[tilespmem:s31], [sflag:$0x1] =	stream.indirect_vreg.gather [hbm4b:s16+s3], $0x80, v2, vm0, $0xb8;
	[tilespmem:$0x18200] =	vst v63  }
0xbd: {  	s31 =	simm.s32 $0x6A00  }
0xbe: {  	[tilespmem:s31], [sflag:$0x1] =	stream.indirect_vreg.gather [hbm4b:s17+s3], $0x80, v2, vm0, $0xb8;
	[tilespmem:$0x18200] =	vst v63  }
0xbf: {  	s31 =	simm.s32 $0x7200  }
0xc0: {  	[tilespmem:s31], [sflag:$0x1] =	stream.indirect_vreg.gather [hbm4b:s18+s3], $0x80, v2, vm0, $0xb8;
	[tilespmem:$0x18200] =	vst v63  }
0xc1: {  	s31 =	simm.s32 $0x7A00  }
0xc2: {  	[tilespmem:s31], [sflag:$0x1] =	stream.indirect_vreg.gather [hbm4b:s19+s3], $0x80, v2, vm0, $0xb8;
	[tilespmem:$0x18200] =	vst v63  }
0xc3: {  	_ =	swait.ge [sflag:s21], $0x8000  }
0xc4: {  	[sflag:s21] =	ssyncset.done $0x0  }
0xc5: {  	s29 =	sadd.s32 $0xFFFFF000, s26;
	s31 =	simm.s32 $0x8200;
	[sflag:s21] =	ssyncadd.s32 $0xFFFF8000  }
0xc6: {  	[hbm4b:s29+s3] =	stream.linear.scatter [tilespmem:s31], [sflag:$0x4], $0x8000, $0x38;
	[tilespmem:$0x18200] =	vst v63  }
0xc7: {  	_ =	swait.ge [sflag:s23], $0x8000  }
0xc8: {  	p0 =	seq.s32 s25, $0x780;
	[sflag:s23] =	ssyncset.done $0x0  }
0xc9: {  	s29 =	sshra.s32 @!p0 s25, $0x2;
	[sflag:s23] =	ssyncadd.s32 $0xFFFF8000  }
0xca: {  	v2 =	vld.msk @!p0 [tilespmem:s29+$0x20], $0xff;
	_ =	sdelay $0x4  }
0xcb: {  	v3 =	vshll.u32 @!p0 v2, $0x5  }
0xcc: {  	v4 =	vlaneseq.u32 @!p0;
	v2 =	vand.u32 @!p0 $0x7, v2;
	v3 =	vand.u32 @!p0 $0xFFFFFF00, v3  }
0xcd: {  	v2 =	vor.u32 @!p0 v2, v3;
	v3 =	vand.u32 @!p0 $0x7, v4;
	v4 =	vshrl.u32 @!p0 v4, $0x3  }
0xce: {  	v2 =	vperm.xlane @!p0 v2, v3;
	v3 =	vmul.u32 @!p0 $0x8, v4;
	_ =	sdelay $0x1  }
0xcf: {  	v2 =	vadd.s32 @!p0 v3, v2;
	_ =	sdelay $0x3  }
0xd0: {  	vm1 =	vmmov @!p0 $0xffff;
	s31 =	simm.s32 @!p0 $0x8200;
	s29 =	simm.s32 @!p0 $0x0  }
0xd1: {  	[tilespmem:s31], [sflag:$0x2] =	stream.indirect_vreg.gather @!p0 [hbm4b:s2+s29], $0x80, v2, vm1, $0xb8;
	[tilespmem:$0x18200] =	vst v63  }
0xd2: {  	s31 =	simm.s32 @!p0 $0x8A00  }
0xd3: {  	[tilespmem:s31], [sflag:$0x2] =	stream.indirect_vreg.gather @!p0 [hbm4b:s5+s29], $0x80, v2, vm1, $0xb8;
	[tilespmem:$0x18200] =	vst v63  }
0xd4: {  	s31 =	simm.s32 @!p0 $0x9200  }
0xd5: {  	[tilespmem:s31], [sflag:$0x2] =	stream.indirect_vreg.gather @!p0 [hbm4b:s6+s29], $0x80, v2, vm1, $0xb8;
	[tilespmem:$0x18200] =	vst v63  }
0xd6: {  	s31 =	simm.s32 @!p0 $0x9A00  }
0xd7: {  	[tilespmem:s31], [sflag:$0x2] =	stream.indirect_vreg.gather @!p0 [hbm4b:s7+s29], $0x80, v2, vm1, $0xb8;
	[tilespmem:$0x18200] =	vst v63  }
0xd8: {  	s31 =	simm.s32 @!p0 $0xA200  }
0xd9: {  	[tilespmem:s31], [sflag:$0x2] =	stream.indirect_vreg.gather @!p0 [hbm4b:s8+s29], $0x80, v2, vm1, $0xb8;
	[tilespmem:$0x18200] =	vst v63  }
0xda: {  	s31 =	simm.s32 @!p0 $0xAA00  }
0xdb: {  	[tilespmem:s31], [sflag:$0x2] =	stream.indirect_vreg.gather @!p0 [hbm4b:s9+s29], $0x80, v2, vm1, $0xb8;
	[tilespmem:$0x18200] =	vst v63  }
0xdc: {  	s31 =	simm.s32 @!p0 $0xB200  }
0xdd: {  	[tilespmem:s31], [sflag:$0x2] =	stream.indirect_vreg.gather @!p0 [hbm4b:s10+s29], $0x80, v2, vm1, $0xb8;
	[tilespmem:$0x18200] =	vst v63  }
0xde: {  	s31 =	simm.s32 @!p0 $0xBA00  }
0xdf: {  	[tilespmem:s31], [sflag:$0x2] =	stream.indirect_vreg.gather @!p0 [hbm4b:s11+s29], $0x80, v2, vm1, $0xb8;
	[tilespmem:$0x18200] =	vst v63  }
0xe0: {  	s31 =	simm.s32 @!p0 $0xC200  }
0xe1: {  	[tilespmem:s31], [sflag:$0x2] =	stream.indirect_vreg.gather @!p0 [hbm4b:s12+s29], $0x80, v2, vm1, $0xb8;
	[tilespmem:$0x18200] =	vst v63  }
0xe2: {  	s31 =	simm.s32 @!p0 $0xCA00  }
0xe3: {  	[tilespmem:s31], [sflag:$0x2] =	stream.indirect_vreg.gather @!p0 [hbm4b:s13+s29], $0x80, v2, vm1, $0xb8;
	[tilespmem:$0x18200] =	vst v63  }
0xe4: {  	s31 =	simm.s32 @!p0 $0xD200  }
0xe5: {  	[tilespmem:s31], [sflag:$0x2] =	stream.indirect_vreg.gather @!p0 [hbm4b:s14+s29], $0x80, v2, vm1, $0xb8;
	[tilespmem:$0x18200] =	vst v63  }
0xe6: {  	s31 =	simm.s32 @!p0 $0xDA00  }
0xe7: {  	[tilespmem:s31], [sflag:$0x2] =	stream.indirect_vreg.gather @!p0 [hbm4b:s15+s29], $0x80, v2, vm1, $0xb8;
	[tilespmem:$0x18200] =	vst v63  }
0xe8: {  	s31 =	simm.s32 @!p0 $0xE200  }
0xe9: {  	[tilespmem:s31], [sflag:$0x2] =	stream.indirect_vreg.gather @!p0 [hbm4b:s16+s29], $0x80, v2, vm1, $0xb8;
	[tilespmem:$0x18200] =	vst v63  }
0xea: {  	s31 =	simm.s32 @!p0 $0xEA00  }
0xeb: {  	[tilespmem:s31], [sflag:$0x2] =	stream.indirect_vreg.gather @!p0 [hbm4b:s17+s29], $0x80, v2, vm1, $0xb8;
	[tilespmem:$0x18200] =	vst v63  }
0xec: {  	s31 =	simm.s32 @!p0 $0xF200  }
0xed: {  	[tilespmem:s31], [sflag:$0x2] =	stream.indirect_vreg.gather @!p0 [hbm4b:s18+s29], $0x80, v2, vm1, $0xb8;
	[tilespmem:$0x18200] =	vst v63  }
0xee: {  	s31 =	simm.s32 @!p0 $0xFA00  }
0xef: {  	[tilespmem:s31], [sflag:$0x2] =	stream.indirect_vreg.gather @!p0 [hbm4b:s19+s29], $0x80, v2, vm1, $0xb8;
	[tilespmem:$0x18200] =	vst v63  }
0xf0: {  	_ =	swait.ge [sflag:s22], $0x8000  }
0xf1: {  	[sflag:s22] =	ssyncset.done $0x0  }
.Ltmp2:
0xf2: {  	[sflag:s22] =	ssyncadd.s32 $0xFFFF8000;
	(pc) =	sbr.rel @p0 .LBB2_4-.Ltmp2, $4  }
0xf3: {  	[hbm4b:s26+s3] =	stream.linear.scatter [tilespmem:s30], [sflag:$0x4], $0x8000, $0x38;
	[tilespmem:$0x18200] =	vst v63  }
0xf4: {  	_ =	swait.ge [sflag:s23], $0x8000  }
0xf5: {  	[sflag:s23] =	ssyncset.done $0x0  }
0xf6: {  	[sflag:s23] =	ssyncadd.s32 $0xFFFF8000  }
0xf7: {  	v2 =	vld.msk [tilespmem:s28+$0x28], $0xff;
	_ =	sdelay $0x4  }
0xf8: {  	v3 =	vshll.u32 v2, $0x5  }
0xf9: {  	v2 =	vand.u32 $0x7, v2;
	v3 =	vand.u32 $0xFFFFFF00, v3  }
0xfa: {  	v2 =	vor.u32 v2, v3  }
0xfb: {  	v2 =	vperm.xlane v2, v0;
	_ =	sdelay $0x1  }
0xfc: {  	v2 =	vadd.s32 v1, v2;
	_ =	sdelay $0x4  }
0xfd: {  	[tilespmem:s30], [sflag:$0x3] =	stream.indirect_vreg.gather [hbm4b:s2+s3], $0x80, v2, vm0, $0xb8;
	[tilespmem:$0x18200] =	vst v63  }
0xfe: {  	s29 =	simm.s32 $0x10A00  }
0xff: {  	[tilespmem:s29], [sflag:$0x3] =	stream.indirect_vreg.gather [hbm4b:s5+s3], $0x80, v2, vm0, $0xb8;
	[tilespmem:$0x18200] =	vst v63  }
0x100: {  	s31 =	simm.s32 $0x11200  }
0x101: {  	[tilespmem:s31], [sflag:$0x3] =	stream.indirect_vreg.gather [hbm4b:s6+s3], $0x80, v2, vm0, $0xb8;
	[tilespmem:$0x18200] =	vst v63  }
0x102: {  	s29 =	simm.s32 $0x11A00  }
0x103: {  	[tilespmem:s29], [sflag:$0x3] =	stream.indirect_vreg.gather [hbm4b:s7+s3], $0x80, v2, vm0, $0xb8;
	[tilespmem:$0x18200] =	vst v63  }
0x104: {  	s31 =	simm.s32 $0x12200  }
0x105: {  	[tilespmem:s31], [sflag:$0x3] =	stream.indirect_vreg.gather [hbm4b:s8+s3], $0x80, v2, vm0, $0xb8;
	[tilespmem:$0x18200] =	vst v63  }
0x106: {  	s29 =	simm.s32 $0x12A00  }
0x107: {  	[tilespmem:s29], [sflag:$0x3] =	stream.indirect_vreg.gather [hbm4b:s9+s3], $0x80, v2, vm0, $0xb8;
	[tilespmem:$0x18200] =	vst v63  }
0x108: {  	s31 =	simm.s32 $0x13200  }
0x109: {  	[tilespmem:s31], [sflag:$0x3] =	stream.indirect_vreg.gather [hbm4b:s10+s3], $0x80, v2, vm0, $0xb8;
	[tilespmem:$0x18200] =	vst v63  }
0x10a: {  	s29 =	simm.s32 $0x13A00  }
0x10b: {  	[tilespmem:s29], [sflag:$0x3] =	stream.indirect_vreg.gather [hbm4b:s11+s3], $0x80, v2, vm0, $0xb8;
	[tilespmem:$0x18200] =	vst v63  }
0x10c: {  	s31 =	simm.s32 $0x14200  }
0x10d: {  	[tilespmem:s31], [sflag:$0x3] =	stream.indirect_vreg.gather [hbm4b:s12+s3], $0x80, v2, vm0, $0xb8;
	[tilespmem:$0x18200] =	vst v63  }
0x10e: {  	s29 =	simm.s32 $0x14A00  }
0x10f: {  	[tilespmem:s29], [sflag:$0x3] =	stream.indirect_vreg.gather [hbm4b:s13+s3], $0x80, v2, vm0, $0xb8;
	[tilespmem:$0x18200] =	vst v63  }
0x110: {  	s31 =	simm.s32 $0x15200  }
0x111: {  	[tilespmem:s31], [sflag:$0x3] =	stream.indirect_vreg.gather [hbm4b:s14+s3], $0x80, v2, vm0, $0xb8;
	[tilespmem:$0x18200] =	vst v63  }
0x112: {  	s29 =	simm.s32 $0x15A00  }
0x113: {  	[tilespmem:s29], [sflag:$0x3] =	stream.indirect_vreg.gather [hbm4b:s15+s3], $0x80, v2, vm0, $0xb8;
	[tilespmem:$0x18200] =	vst v63  }
0x114: {  	s31 =	simm.s32 $0x16200  }
0x115: {  	[tilespmem:s31], [sflag:$0x3] =	stream.indirect_vreg.gather [hbm4b:s16+s3], $0x80, v2, vm0, $0xb8;
	[tilespmem:$0x18200] =	vst v63  }
0x116: {  	_ = 	snop  }
0x117: {  	[tilespmem:s0], [sflag:$0x3] =	stream.indirect_vreg.gather [hbm4b:s17+s3], $0x80, v2, vm0, $0xb8;
	[tilespmem:$0x18200] =	vst v63  }
.Ltmp3:
0x118: {  	_ = 	snop;
	(pc) =	sbr.rel .LBB2_2-.Ltmp3, $4  }
0x119: {  	_ = 	snop  }
0x11a: {  	[tilespmem:s1], [sflag:$0x3] =	stream.indirect_vreg.gather [hbm4b:s18+s3], $0x80, v2, vm0, $0xb8;
	[tilespmem:$0x18200] =	vst v63  }
0x11b: {  	s26 =	sadd.s32 $0x3000, s26;
	s25 =	sadd.s32 $0x60, s25  }
0x11c: {  	[tilespmem:s4], [sflag:$0x3] =	stream.indirect_vreg.gather [hbm4b:s19+s3], $0x80, v2, vm0, $0xb8;
	[tilespmem:$0x18200] =	vst v63  }
.LBB2_5:
0x11d: {  	_ =	sfence.sel $0x180000  }
0x11e: {  	[bflag:$0x0] =	sbarrier.arrive $0xFFFF  }
0x11f: {  	_ =	strace $0x90000047  }
0x120: {  	s0 =	stileid.u32;
	[bflag:$0x2] =	sbarrier.arrive $0xFFFF  }
0x121: {  	p0 =	sne.s32 s0, $0x0;
	s0 =	rddreg [dreg:$0x3]  }
0x122: {  	s0 =	sadd.s32 @!p0 $0x100000, s0  }
0x123: {  	[sflag:s0] =	ssyncadd.tile.s32 @!p0 $0x1;
	_ =	shalt  }
.Lfunc_end2:
_tile_overlayer_lowered:
.L_overlay_start_2:
0x124: {  	(tag) =	ssettag $0x2  }
0x125: {  	s0 =	rddreg [dreg:$0x0];
	s2 =	stileid.u32  }
0x126: {  	s1 =	rddreg [dreg:$0x1];
	p0 =	sne.s32 s2, $0x0  }
0x127: {  	s3 =	rddreg [dreg:$0x2];
	[bflag:$0x3] =	sbarrier.arrive $0xFFFF;
	s2 =	simm.s32 @!p0 $0x1C04  }
0x128: {  	[timem:s3], [sflag:s2] =	dma.local @!p0 [hbm:s0], s1  }
0x129: {  	s0 =	simm.s32 @!p0 $0x4  }
0x12a: {  	_ =	swait.ge @!p0 [sflag:s0], s1  }
0x12b: {  	s1 =	ssub.s32 @!p0 $0x0, s1;
	[sflag:s0] =	ssyncset.done @!p0 $0x0  }
0x12c: {  	[sflag:s0] =	ssyncadd.s32 @!p0 s1  }
0x12d: {  	[bflag:$0x3] =	sbarrier.arrive $0xFFFF  }
0x12e: {  	_ =	shalt  }

</sc_bundles>
